<compile_context>
chip_gen: v7x
topology: tpu7x:2x2x1
jax: 0.10.2.dev20260603
libtpu: 0.0.44.dev20260713+nightly
codegen_flags: <defaults>
</compile_context>

<pallas_src>
import functools

import jax
import jax.numpy as jnp
from jax import lax
from jax.experimental import pallas as pl
from jax.experimental.pallas import tpu as pltpu
from jax.experimental.pallas import tpu_sc as plsc

_B, _F, _D, _V = 4096, 26, 64, 100000


def _sc_gather_t(idx, table_t):
    info = plsc.get_sparse_core_info()
    nc, ns = info.num_cores, info.num_subcores

    mesh = plsc.VectorSubcoreMesh(core_axis_name="c", subcore_axis_name="s")

    @functools.partial(
        pl.kernel,
        out_type=jax.ShapeDtypeStruct((_F, _B), jnp.float32),
        mesh=mesh,
        compiler_params=pltpu.CompilerParams(
            needs_layout_passes=False, skip_device_barrier=True
        ),
        scratch_types=[
            pltpu.VMEM((_V,), jnp.float32),
            pltpu.VMEM((_B,), jnp.int32),
            pltpu.VMEM((_B,), jnp.float32),
            pltpu.SemaphoreType.DMA,
        ],
    )
    def gather_kernel(idx_hbm, table_hbm, out_hbm, row_v, idx_v, out_v, sem):
        wid = lax.axis_index("s") * nc + lax.axis_index("c")

        @pl.when(wid < _F)
        def _():
            pltpu.async_copy(table_hbm.at[wid], row_v, sem)
            pltpu.sync_copy(idx_hbm, idx_v)
            pltpu.make_async_copy(table_hbm.at[0], row_v, sem).wait()

            def gather_group(g, carry):
                for j in range(8):
                    o = g * 128 + j * 16
                    out_v[pl.ds(o, 16)] = plsc.load_gather(
                        row_v, [idx_v[pl.ds(o, 16)]]
                    )
                return carry

            lax.fori_loop(0, _B // 128, gather_group, 0)
            pltpu.sync_copy(out_v, out_hbm.at[wid])

    return gather_kernel(idx, table_t)


def _tc_pool(alpha_t, stack_t):
    bn = 1024
    grid = (_B // bn,)

    def body(a_ref, x_ref, o_ref):
        a = a_ref[...]
        m = jnp.max(a, axis=0, keepdims=True)
        e = jnp.exp(a - m)
        s = jnp.sum(e, axis=0, keepdims=True)
        w = e / s
        acc = jnp.zeros((_D, bn), jnp.float32)
        for f in range(_F):
            acc = acc + w[f : f + 1, :] * x_ref[f]
        o_ref[...] = acc

    return pl.pallas_call(
        body,
        grid=grid,
        in_specs=[
            pl.BlockSpec((_F, bn), lambda i: (0, i)),
            pl.BlockSpec((_F, _D, bn), lambda i: (0, 0, i)),
        ],
        out_specs=pl.BlockSpec((_D, bn), lambda i: (0, i)),
        out_shape=jax.ShapeDtypeStruct((_D, _B), jnp.float32),
    )(alpha_t, stack_t)


def kernel(stack_embedding, item_input, alpha_embeddings):
    idx = item_input.reshape(-1).astype(jnp.int32)
    table_t = alpha_embeddings.T
    stack_t = jnp.transpose(stack_embedding, (1, 2, 0))
    alpha_t = _sc_gather_t(idx, table_t)
    out_t = _tc_pool(alpha_t, stack_t)
    return out_t.T

# --- scband reference (transcript-rebuilt; emitter-appended) ---
"""Pipeline reference for scband-egespooling-16578573762735 (READ-ONLY COPY).

The authoritative reference and input builder live on the scoring server;
editing this copy changes nothing except your own understanding.
"""

import jax, jax.numpy as jnp
import numpy as np

B, F, D, V = 4096, 26, 64, 100000

def setup_inputs(seed: int = 0) -> dict:
    key = jax.random.key(seed)
    k1, k2, k3 = jax.random.split(key, 3)
    # inputs[0] in the original keras layer is a list of F side-info embeddings,
    # each [B, 1, D]; Concatenate(axis=1) yields [B, F, D]. We materialize the
    # concatenated stack directly.
    stack_embedding = jax.random.normal(k1, (B, F, D), dtype=jnp.float32)
    item_input = jax.random.randint(k2, (B, 1), 0, V)
    # learned parameter: per-item attention logits over the F side-info fields
    alpha_embeddings = jax.random.uniform(k3, (V, F), minval=-1.0, maxval=1.0, dtype=jnp.float32)
    return {"stack_embedding": stack_embedding, "item_input": item_input, "alpha_embeddings": alpha_embeddings}

def reference(stack_embedding, item_input, alpha_embeddings):
    # tf.nn.embedding_lookup(alpha_embeddings, item_input) -> [B, 1, F]
    alpha = jnp.take(alpha_embeddings, item_input, axis=0)
    # tf.transpose(perm=[0, 2, 1]) -> [B, F, 1]
    alpha = jnp.transpose(alpha, (0, 2, 1))
    # softmax over the F side-info fields (axis=1)
    side_info_weight = jax.nn.softmax(alpha, axis=1)
    # weighted merge of side-info embeddings: [B, F, 1] * [B, F, D]
    merge_embedding_matrix = side_info_weight * stack_embedding
    merge_embedding = jnp.sum(merge_embedding_matrix, axis=1)
    return merge_embedding

if __name__ == "__main__":
    import jax
    _d = setup_inputs()
    print(jax.jit(kernel)(*tuple(_d.values())))

</pallas_src>

<mosaic_0001>
#map = affine_map<(d0, d1) -> (0)>
#map1 = affine_map<(d0, d1) -> (0, 0)>
module attributes {stable_mosaic.version = 14 : i64} {
  func.func @gather_kernel(%arg0: i32, %arg1: i32, %arg2: memref<4096xi32, #tpu.memory_space<hbm>>, %arg3: memref<26x100000xf32, #tpu.memory_space<hbm>>, %arg4: memref<26x4096xf32, #tpu.memory_space<hbm>>, %arg5: memref<100000xf32, #tpu.memory_space<vmem>>, %arg6: memref<4096xi32, #tpu.memory_space<vmem>>, %arg7: memref<4096xf32, #tpu.memory_space<vmem>>, %arg8: memref<!tpu.dma_semaphore, #tpu.memory_space<semaphore_mem>>) attributes {dimension_semantics = [#tpu.dimension_semantics<core_parallel>, #tpu.dimension_semantics<subcore_parallel>], iteration_bounds = array<i64: 2, 16>, scalar_prefetch = 0 : i64, scratch_operands = 4 : i64, tpu.core_type = #tpu.core_type<sc_vector_subcore>, window_params = [{transform_indices = #map}, {transform_indices = #map1}, {transform_indices = #map1}]} {
    %mul3A = arith.constant 2 : i32
    %mul3A_0 = arith.muli %arg1, %mul3A : i32
    %add3A = arith.addi %mul3A_0, %arg0 : i32
    %lt3A = arith.constant 26 : i32
    %lt3A_1 = arith.cmpi slt, %add3A, %lt3A : i32
    %convert_element_type3A = arith.extui %lt3A_1 : i1 to i32
    %cond3A = arith.constant 0 : i32
    %cond3A_2 = arith.cmpi ne, %convert_element_type3A, %cond3A : i32
    scf.if %cond3A_2 {
      %dma_start3A = arith.constant 0 : i32
      %dma_start3A_3 = tpu.memref_slice %arg3[%add3A, %dma_start3A] : memref<26x100000xf32, #tpu.memory_space<hbm>> -> memref<1x100000xf32, #tpu.memory_space<hbm>>
      %dma_start3A_4 = tpu.memref_squeeze %dma_start3A_3 : memref<1x100000xf32, #tpu.memory_space<hbm>> -> memref<100000xf32, #tpu.memory_space<hbm>>
      %dma_start3A_5 = arith.constant 0 : i32
      %dma_start3A_6 = tpu.memref_slice %arg3[%add3A, %dma_start3A_5] : memref<26x100000xf32, #tpu.memory_space<hbm>> -> memref<1x100000xf32, #tpu.memory_space<hbm>>
      %dma_start3A_7 = tpu.memref_squeeze %dma_start3A_6 : memref<1x100000xf32, #tpu.memory_space<hbm>> -> memref<100000xf32, #tpu.memory_space<hbm>>
      tpu.enqueue_dma source(%dma_start3A_7 : memref<100000xf32, #tpu.memory_space<hbm>>) target(%arg5 : memref<100000xf32, #tpu.memory_space<vmem>>) target_semaphore(%arg8 : memref<!tpu.dma_semaphore, #tpu.memory_space<semaphore_mem>>)
      "tpu.region"() ({
        %run_scoped3A = tpu.sem_alloc : memref<!tpu.dma_semaphore, #tpu.memory_space<semaphore_mem>>
        tpu.enqueue_dma source(%arg2 : memref<4096xi32, #tpu.memory_space<hbm>>) target(%arg6 : memref<4096xi32, #tpu.memory_space<vmem>>) target_semaphore(%run_scoped3A : memref<!tpu.dma_semaphore, #tpu.memory_space<semaphore_mem>>)
        tpu.wait_dma2 semaphore(%run_scoped3A : memref<!tpu.dma_semaphore, #tpu.memory_space<semaphore_mem>>) src(%arg2 : memref<4096xi32, #tpu.memory_space<hbm>>) dst(%arg6 : memref<4096xi32, #tpu.memory_space<vmem>>)
        tpu.yield
      }) : () -> ()
      %dma_wait3A = arith.constant 0 : i32
      %dma_wait3A_8 = arith.constant 0 : i32
      %dma_wait3A_9 = tpu.memref_slice %arg3[%dma_wait3A, %dma_wait3A_8] : memref<26x100000xf32, #tpu.memory_space<hbm>> -> memref<1x100000xf32, #tpu.memory_space<hbm>>
      %dma_wait3A_10 = tpu.memref_squeeze %dma_wait3A_9 : memref<1x100000xf32, #tpu.memory_space<hbm>> -> memref<100000xf32, #tpu.memory_space<hbm>>
      %dma_wait3A_11 = arith.constant 0 : i32
      %dma_wait3A_12 = tpu.memref_slice %arg3[%dma_wait3A, %dma_wait3A_11] : memref<26x100000xf32, #tpu.memory_space<hbm>> -> memref<1x100000xf32, #tpu.memory_space<hbm>>
      %dma_wait3A_13 = tpu.memref_squeeze %dma_wait3A_12 : memref<1x100000xf32, #tpu.memory_space<hbm>> -> memref<100000xf32, #tpu.memory_space<hbm>>
      tpu.wait_dma2 semaphore(%arg8 : memref<!tpu.dma_semaphore, #tpu.memory_space<semaphore_mem>>) src(%dma_wait3A_13 : memref<100000xf32, #tpu.memory_space<hbm>>) dst(%arg5 : memref<100000xf32, #tpu.memory_space<vmem>>)
      %scan3A = arith.constant 0 : i32
      %scan3A_14 = arith.constant 0 : i32
      %scan3A_15 = arith.constant 32 : i32
      %scan3A_16 = arith.addi %scan3A_14, %scan3A_15 : i32
      %scan3A_17 = arith.constant 1 : i32
      scf.for %scan3A_19 = %scan3A_14 to %scan3A_16 step %scan3A_17  : i32 {
        %mul3A_20 = arith.constant 128 : i32
        %mul3A_21 = arith.muli %scan3A_19, %mul3A_20 : i32
        %add3A_22 = arith.constant 0 : i32
        %add3A_23 = arith.addi %mul3A_21, %add3A_22 : i32
        %get3A = arith.index_cast %add3A_23 : i32 to index
        %get3A_24 = tpu.vector_load %arg6[%get3A] {strides = array<i32>} : memref<4096xi32, #tpu.memory_space<vmem>>, vector<16xi32>,
        %gather3A = tpu.vector_load_idx %arg5[%get3A_24] : memref<100000xf32, #tpu.memory_space<vmem>>[vector<16xi32>], vector<16xf32>,
        %swap3A = arith.index_cast %add3A_23 : i32 to index
        %swap3A_25 = tpu.vector_load %arg7[%swap3A] {strides = array<i32>} : memref<4096xf32, #tpu.memory_space<vmem>>, vector<16xf32>,
        tpu.vector_store %arg7[%swap3A], %gather3A {strides = array<i32>} : memref<4096xf32, #tpu.memory_space<vmem>>, vector<16xf32>,
        %mul3A_26 = arith.constant 128 : i32
        %mul3A_27 = arith.muli %scan3A_19, %mul3A_26 : i32
        %add3A_28 = arith.constant 16 : i32
        %add3A_29 = arith.addi %mul3A_27, %add3A_28 : i32
        %get3A_30 = arith.index_cast %add3A_29 : i32 to index
        %get3A_31 = tpu.vector_load %arg6[%get3A_30] {strides = array<i32>} : memref<4096xi32, #tpu.memory_space<vmem>>, vector<16xi32>,
        %gather3A_32 = tpu.vector_load_idx %arg5[%get3A_31] : memref<100000xf32, #tpu.memory_space<vmem>>[vector<16xi32>], vector<16xf32>,
        %swap3A_33 = arith.index_cast %add3A_29 : i32 to index
        %swap3A_34 = tpu.vector_load %arg7[%swap3A_33] {strides = array<i32>} : memref<4096xf32, #tpu.memory_space<vmem>>, vector<16xf32>,
        tpu.vector_store %arg7[%swap3A_33], %gather3A_32 {strides = array<i32>} : memref<4096xf32, #tpu.memory_space<vmem>>, vector<16xf32>,
        %mul3A_35 = arith.constant 128 : i32
        %mul3A_36 = arith.muli %scan3A_19, %mul3A_35 : i32
        %add3A_37 = arith.constant 32 : i32
        %add3A_38 = arith.addi %mul3A_36, %add3A_37 : i32
        %get3A_39 = arith.index_cast %add3A_38 : i32 to index
        %get3A_40 = tpu.vector_load %arg6[%get3A_39] {strides = array<i32>} : memref<4096xi32, #tpu.memory_space<vmem>>, vector<16xi32>,
        %gather3A_41 = tpu.vector_load_idx %arg5[%get3A_40] : memref<100000xf32, #tpu.memory_space<vmem>>[vector<16xi32>], vector<16xf32>,
        %swap3A_42 = arith.index_cast %add3A_38 : i32 to index
        %swap3A_43 = tpu.vector_load %arg7[%swap3A_42] {strides = array<i32>} : memref<4096xf32, #tpu.memory_space<vmem>>, vector<16xf32>,
        tpu.vector_store %arg7[%swap3A_42], %gather3A_41 {strides = array<i32>} : memref<4096xf32, #tpu.memory_space<vmem>>, vector<16xf32>,
        %mul3A_44 = arith.constant 128 : i32
        %mul3A_45 = arith.muli %scan3A_19, %mul3A_44 : i32
        %add3A_46 = arith.constant 48 : i32
        %add3A_47 = arith.addi %mul3A_45, %add3A_46 : i32
        %get3A_48 = arith.index_cast %add3A_47 : i32 to index
        %get3A_49 = tpu.vector_load %arg6[%get3A_48] {strides = array<i32>} : memref<4096xi32, #tpu.memory_space<vmem>>, vector<16xi32>,
        %gather3A_50 = tpu.vector_load_idx %arg5[%get3A_49] : memref<100000xf32, #tpu.memory_space<vmem>>[vector<16xi32>], vector<16xf32>,
        %swap3A_51 = arith.index_cast %add3A_47 : i32 to index
        %swap3A_52 = tpu.vector_load %arg7[%swap3A_51] {strides = array<i32>} : memref<4096xf32, #tpu.memory_space<vmem>>, vector<16xf32>,
        tpu.vector_store %arg7[%swap3A_51], %gather3A_50 {strides = array<i32>} : memref<4096xf32, #tpu.memory_space<vmem>>, vector<16xf32>,
        %mul3A_53 = arith.constant 128 : i32
        %mul3A_54 = arith.muli %scan3A_19, %mul3A_53 : i32
        %add3A_55 = arith.constant 64 : i32
        %add3A_56 = arith.addi %mul3A_54, %add3A_55 : i32
        %get3A_57 = arith.index_cast %add3A_56 : i32 to index
        %get3A_58 = tpu.vector_load %arg6[%get3A_57] {strides = array<i32>} : memref<4096xi32, #tpu.memory_space<vmem>>, vector<16xi32>,
        %gather3A_59 = tpu.vector_load_idx %arg5[%get3A_58] : memref<100000xf32, #tpu.memory_space<vmem>>[vector<16xi32>], vector<16xf32>,
        %swap3A_60 = arith.index_cast %add3A_56 : i32 to index
        %swap3A_61 = tpu.vector_load %arg7[%swap3A_60] {strides = array<i32>} : memref<4096xf32, #tpu.memory_space<vmem>>, vector<16xf32>,
        tpu.vector_store %arg7[%swap3A_60], %gather3A_59 {strides = array<i32>} : memref<4096xf32, #tpu.memory_space<vmem>>, vector<16xf32>,
        %mul3A_62 = arith.constant 128 : i32
        %mul3A_63 = arith.muli %scan3A_19, %mul3A_62 : i32
        %add3A_64 = arith.constant 80 : i32
        %add3A_65 = arith.addi %mul3A_63, %add3A_64 : i32
        %get3A_66 = arith.index_cast %add3A_65 : i32 to index
        %get3A_67 = tpu.vector_load %arg6[%get3A_66] {strides = array<i32>} : memref<4096xi32, #tpu.memory_space<vmem>>, vector<16xi32>,
        %gather3A_68 = tpu.vector_load_idx %arg5[%get3A_67] : memref<100000xf32, #tpu.memory_space<vmem>>[vector<16xi32>], vector<16xf32>,
        %swap3A_69 = arith.index_cast %add3A_65 : i32 to index
        %swap3A_70 = tpu.vector_load %arg7[%swap3A_69] {strides = array<i32>} : memref<4096xf32, #tpu.memory_space<vmem>>, vector<16xf32>,
        tpu.vector_store %arg7[%swap3A_69], %gather3A_68 {strides = array<i32>} : memref<4096xf32, #tpu.memory_space<vmem>>, vector<16xf32>,
        %mul3A_71 = arith.constant 128 : i32
        %mul3A_72 = arith.muli %scan3A_19, %mul3A_71 : i32
        %add3A_73 = arith.constant 96 : i32
        %add3A_74 = arith.addi %mul3A_72, %add3A_73 : i32
        %get3A_75 = arith.index_cast %add3A_74 : i32 to index
        %get3A_76 = tpu.vector_load %arg6[%get3A_75] {strides = array<i32>} : memref<4096xi32, #tpu.memory_space<vmem>>, vector<16xi32>,
        %gather3A_77 = tpu.vector_load_idx %arg5[%get3A_76] : memref<100000xf32, #tpu.memory_space<vmem>>[vector<16xi32>], vector<16xf32>,
        %swap3A_78 = arith.index_cast %add3A_74 : i32 to index
        %swap3A_79 = tpu.vector_load %arg7[%swap3A_78] {strides = array<i32>} : memref<4096xf32, #tpu.memory_space<vmem>>, vector<16xf32>,
        tpu.vector_store %arg7[%swap3A_78], %gather3A_77 {strides = array<i32>} : memref<4096xf32, #tpu.memory_space<vmem>>, vector<16xf32>,
        %mul3A_80 = arith.constant 128 : i32
        %mul3A_81 = arith.muli %scan3A_19, %mul3A_80 : i32
        %add3A_82 = arith.constant 112 : i32
        %add3A_83 = arith.addi %mul3A_81, %add3A_82 : i32
        %get3A_84 = arith.index_cast %add3A_83 : i32 to index
        %get3A_85 = tpu.vector_load %arg6[%get3A_84] {strides = array<i32>} : memref<4096xi32, #tpu.memory_space<vmem>>, vector<16xi32>,
        %gather3A_86 = tpu.vector_load_idx %arg5[%get3A_85] : memref<100000xf32, #tpu.memory_space<vmem>>[vector<16xi32>], vector<16xf32>,
        %swap3A_87 = arith.index_cast %add3A_83 : i32 to index
        %swap3A_88 = tpu.vector_load %arg7[%swap3A_87] {strides = array<i32>} : memref<4096xf32, #tpu.memory_space<vmem>>, vector<16xf32>,
        tpu.vector_store %arg7[%swap3A_87], %gather3A_86 {strides = array<i32>} : memref<4096xf32, #tpu.memory_space<vmem>>, vector<16xf32>,
      }
      %scan3A_18 = arith.constant 32 : i32
      "tpu.region"() ({
        %run_scoped3A = tpu.sem_alloc : memref<!tpu.dma_semaphore, #tpu.memory_space<semaphore_mem>>
        %dma_start3A_19 = arith.constant 0 : i32
        %dma_start3A_20 = tpu.memref_slice %arg4[%add3A, %dma_start3A_19] : memref<26x4096xf32, #tpu.memory_space<hbm>> -> memref<1x4096xf32, #tpu.memory_space<hbm>>
        %dma_start3A_21 = tpu.memref_squeeze %dma_start3A_20 : memref<1x4096xf32, #tpu.memory_space<hbm>> -> memref<4096xf32, #tpu.memory_space<hbm>>
        %dma_start3A_22 = arith.constant 0 : i32
        %dma_start3A_23 = tpu.memref_slice %arg4[%add3A, %dma_start3A_22] : memref<26x4096xf32, #tpu.memory_space<hbm>> -> memref<1x4096xf32, #tpu.memory_space<hbm>>
        %dma_start3A_24 = tpu.memref_squeeze %dma_start3A_23 : memref<1x4096xf32, #tpu.memory_space<hbm>> -> memref<4096xf32, #tpu.memory_space<hbm>>
        tpu.enqueue_dma source(%arg7 : memref<4096xf32, #tpu.memory_space<vmem>>) target(%dma_start3A_24 : memref<4096xf32, #tpu.memory_space<hbm>>) target_semaphore(%run_scoped3A : memref<!tpu.dma_semaphore, #tpu.memory_space<semaphore_mem>>)
        %dma_wait3A_25 = arith.constant 0 : i32
        %dma_wait3A_26 = tpu.memref_slice %arg4[%add3A, %dma_wait3A_25] : memref<26x4096xf32, #tpu.memory_space<hbm>> -> memref<1x4096xf32, #tpu.memory_space<hbm>>
        %dma_wait3A_27 = tpu.memref_squeeze %dma_wait3A_26 : memref<1x4096xf32, #tpu.memory_space<hbm>> -> memref<4096xf32, #tpu.memory_space<hbm>>
        %dma_wait3A_28 = arith.constant 0 : i32
        %dma_wait3A_29 = tpu.memref_slice %arg4[%add3A, %dma_wait3A_28] : memref<26x4096xf32, #tpu.memory_space<hbm>> -> memref<1x4096xf32, #tpu.memory_space<hbm>>
        %dma_wait3A_30 = tpu.memref_squeeze %dma_wait3A_29 : memref<1x4096xf32, #tpu.memory_space<hbm>> -> memref<4096xf32, #tpu.memory_space<hbm>>
        tpu.wait_dma2 semaphore(%run_scoped3A : memref<!tpu.dma_semaphore, #tpu.memory_space<semaphore_mem>>) src(%arg7 : memref<4096xf32, #tpu.memory_space<vmem>>) dst(%dma_wait3A_30 : memref<4096xf32, #tpu.memory_space<hbm>>)
        tpu.yield
      }) : () -> ()
    } else {
    }
    return
  }
}

module attributes {stable_mosaic.version = 14 : i64} {
  func.func @body(%arg0: i32, %arg1: memref<26x1024xf32, #tpu.memory_space<vmem>>, %arg2: memref<26x64x1024xf32, #tpu.memory_space<vmem>>, %arg3: memref<64x1024xf32, #tpu.memory_space<vmem>>) attributes {dimension_semantics = [#tpu.dimension_semantics<arbitrary>], iteration_bounds = array<i64: 4>, scalar_prefetch = 0 : i64, scratch_operands = 0 : i64, tpu.core_type = #tpu.core_type<tc>, window_params = [{transform_indices = @transform_0, window_bounds = array<i64: 26, 1024>}, {transform_indices = @transform_1, window_bounds = array<i64: 26, 64, 1024>}, {transform_indices = @transform_2, window_bounds = array<i64: 64, 1024>}]} {
    %get3A = arith.constant 0 : index
    %get3A_0 = arith.constant 0 : index
    %get3A_1 = vector.load %arg1[%get3A, %get3A_0] : memref<26x1024xf32, #tpu.memory_space<vmem>>, vector<26x1024xf32>
    %reduce_max3A = arith.constant dense<0xFF800000> : vector<1024xf32>
    %reduce_max3A_2 = vector.multi_reduction <maximumf>, %get3A_1, %reduce_max3A [0] : vector<26x1024xf32> to vector<1024xf32>
    %broadcast_in_dim3A = vector.shape_cast %reduce_max3A_2 : vector<1024xf32> to vector<1x1024xf32>
    %sub3A = vector.broadcast %broadcast_in_dim3A : vector<1x1024xf32> to vector<26x1024xf32>
    %sub3A_3 = arith.subf %get3A_1, %sub3A : vector<26x1024xf32>
    %exp3A = math.exp %sub3A_3 : vector<26x1024xf32>
    %reduce_sum3A = arith.constant dense<0.000000e+00> : vector<1024xf32>
    %reduce_sum3A_4 = vector.multi_reduction <add>, %exp3A, %reduce_sum3A [0] : vector<26x1024xf32> to vector<1024xf32>
    %broadcast_in_dim3A_5 = vector.shape_cast %reduce_sum3A_4 : vector<1024xf32> to vector<1x1024xf32>
    %div3A = vector.broadcast %broadcast_in_dim3A_5 : vector<1x1024xf32> to vector<26x1024xf32>
    %div3A_6 = arith.divf %exp3A, %div3A : vector<26x1024xf32>
    %broadcast_in_dim3A_7 = arith.constant 0.000000e+00 : f32
    %broadcast_in_dim3A_8 = vector.broadcast %broadcast_in_dim3A_7 : f32 to vector<64x1024xf32>
    %slice3A = vector.extract_strided_slice %div3A_6 {offsets = [0, 0], sizes = [1, 1024], strides = [1, 1]} : vector<26x1024xf32> to vector<1x1024xf32>
    %get3A_9 = arith.constant 0 : index
    %get3A_10 = arith.constant 0 : index
    %get3A_11 = arith.constant 0 : index
    %get3A_12 = vector.load %arg2[%get3A_9, %get3A_10, %get3A_11] : memref<26x64x1024xf32, #tpu.memory_space<vmem>>, vector<1x64x1024xf32>
    %get3A_13 = vector.shape_cast %get3A_12 : vector<1x64x1024xf32> to vector<64x1024xf32>
    %mul3A = vector.broadcast %slice3A : vector<1x1024xf32> to vector<64x1024xf32>
    %mul3A_14 = arith.mulf %mul3A, %get3A_13 : vector<64x1024xf32>
    %add3A = arith.addf %broadcast_in_dim3A_8, %mul3A_14 : vector<64x1024xf32>
    %slice3A_15 = vector.extract_strided_slice %div3A_6 {offsets = [1, 0], sizes = [1, 1024], strides = [1, 1]} : vector<26x1024xf32> to vector<1x1024xf32>
    %get3A_16 = arith.constant 1 : index
    %get3A_17 = arith.constant 0 : index
    %get3A_18 = arith.constant 0 : index
    %get3A_19 = vector.load %arg2[%get3A_16, %get3A_17, %get3A_18] : memref<26x64x1024xf32, #tpu.memory_space<vmem>>, vector<1x64x1024xf32>
    %get3A_20 = vector.shape_cast %get3A_19 : vector<1x64x1024xf32> to vector<64x1024xf32>
    %mul3A_21 = vector.broadcast %slice3A_15 : vector<1x1024xf32> to vector<64x1024xf32>
    %mul3A_22 = arith.mulf %mul3A_21, %get3A_20 : vector<64x1024xf32>
    %add3A_23 = arith.addf %add3A, %mul3A_22 : vector<64x1024xf32>
    %slice3A_24 = vector.extract_strided_slice %div3A_6 {offsets = [2, 0], sizes = [1, 1024], strides = [1, 1]} : vector<26x1024xf32> to vector<1x1024xf32>
    %get3A_25 = arith.constant 2 : index
    %get3A_26 = arith.constant 0 : index
    %get3A_27 = arith.constant 0 : index
    %get3A_28 = vector.load %arg2[%get3A_25, %get3A_26, %get3A_27] : memref<26x64x1024xf32, #tpu.memory_space<vmem>>, vector<1x64x1024xf32>
    %get3A_29 = vector.shape_cast %get3A_28 : vector<1x64x1024xf32> to vector<64x1024xf32>
    %mul3A_30 = vector.broadcast %slice3A_24 : vector<1x1024xf32> to vector<64x1024xf32>
    %mul3A_31 = arith.mulf %mul3A_30, %get3A_29 : vector<64x1024xf32>
    %add3A_32 = arith.addf %add3A_23, %mul3A_31 : vector<64x1024xf32>
    %slice3A_33 = vector.extract_strided_slice %div3A_6 {offsets = [3, 0], sizes = [1, 1024], strides = [1, 1]} : vector<26x1024xf32> to vector<1x1024xf32>
    %get3A_34 = arith.constant 3 : index
    %get3A_35 = arith.constant 0 : index
    %get3A_36 = arith.constant 0 : index
    %get3A_37 = vector.load %arg2[%get3A_34, %get3A_35, %get3A_36] : memref<26x64x1024xf32, #tpu.memory_space<vmem>>, vector<1x64x1024xf32>
    %get3A_38 = vector.shape_cast %get3A_37 : vector<1x64x1024xf32> to vector<64x1024xf32>
    %mul3A_39 = vector.broadcast %slice3A_33 : vector<1x1024xf32> to vector<64x1024xf32>
    %mul3A_40 = arith.mulf %mul3A_39, %get3A_38 : vector<64x1024xf32>
    %add3A_41 = arith.addf %add3A_32, %mul3A_40 : vector<64x1024xf32>
    %slice3A_42 = vector.extract_strided_slice %div3A_6 {offsets = [4, 0], sizes = [1, 1024], strides = [1, 1]} : vector<26x1024xf32> to vector<1x1024xf32>
    %get3A_43 = arith.constant 4 : index
    %get3A_44 = arith.constant 0 : index
    %get3A_45 = arith.constant 0 : index
    %get3A_46 = vector.load %arg2[%get3A_43, %get3A_44, %get3A_45] : memref<26x64x1024xf32, #tpu.memory_space<vmem>>, vector<1x64x1024xf32>
    %get3A_47 = vector.shape_cast %get3A_46 : vector<1x64x1024xf32> to vector<64x1024xf32>
    %mul3A_48 = vector.broadcast %slice3A_42 : vector<1x1024xf32> to vector<64x1024xf32>
    %mul3A_49 = arith.mulf %mul3A_48, %get3A_47 : vector<64x1024xf32>
    %add3A_50 = arith.addf %add3A_41, %mul3A_49 : vector<64x1024xf32>
    %slice3A_51 = vector.extract_strided_slice %div3A_6 {offsets = [5, 0], sizes = [1, 1024], strides = [1, 1]} : vector<26x1024xf32> to vector<1x1024xf32>
    %get3A_52 = arith.constant 5 : index
    %get3A_53 = arith.constant 0 : index
    %get3A_54 = arith.constant 0 : index
    %get3A_55 = vector.load %arg2[%get3A_52, %get3A_53, %get3A_54] : memref<26x64x1024xf32, #tpu.memory_space<vmem>>, vector<1x64x1024xf32>
    %get3A_56 = vector.shape_cast %get3A_55 : vector<1x64x1024xf32> to vector<64x1024xf32>
    %mul3A_57 = vector.broadcast %slice3A_51 : vector<1x1024xf32> to vector<64x1024xf32>
    %mul3A_58 = arith.mulf %mul3A_57, %get3A_56 : vector<64x1024xf32>
    %add3A_59 = arith.addf %add3A_50, %mul3A_58 : vector<64x1024xf32>
    %slice3A_60 = vector.extract_strided_slice %div3A_6 {offsets = [6, 0], sizes = [1, 1024], strides = [1, 1]} : vector<26x1024xf32> to vector<1x1024xf32>
    %get3A_61 = arith.constant 6 : index
    %get3A_62 = arith.constant 0 : index
    %get3A_63 = arith.constant 0 : index
    %get3A_64 = vector.load %arg2[%get3A_61, %get3A_62, %get3A_63] : memref<26x64x1024xf32, #tpu.memory_space<vmem>>, vector<1x64x1024xf32>
    %get3A_65 = vector.shape_cast %get3A_64 : vector<1x64x1024xf32> to vector<64x1024xf32>
    %mul3A_66 = vector.broadcast %slice3A_60 : vector<1x1024xf32> to vector<64x1024xf32>
    %mul3A_67 = arith.mulf %mul3A_66, %get3A_65 : vector<64x1024xf32>
    %add3A_68 = arith.addf %add3A_59, %mul3A_67 : vector<64x1024xf32>
    %slice3A_69 = vector.extract_strided_slice %div3A_6 {offsets = [7, 0], sizes = [1, 1024], strides = [1, 1]} : vector<26x1024xf32> to vector<1x1024xf32>
    %get3A_70 = arith.constant 7 : index
    %get3A_71 = arith.constant 0 : index
    %get3A_72 = arith.constant 0 : index
    %get3A_73 = vector.load %arg2[%get3A_70, %get3A_71, %get3A_72] : memref<26x64x1024xf32, #tpu.memory_space<vmem>>, vector<1x64x1024xf32>
    %get3A_74 = vector.shape_cast %get3A_73 : vector<1x64x1024xf32> to vector<64x1024xf32>
    %mul3A_75 = vector.broadcast %slice3A_69 : vector<1x1024xf32> to vector<64x1024xf32>
    %mul3A_76 = arith.mulf %mul3A_75, %get3A_74 : vector<64x1024xf32>
    %add3A_77 = arith.addf %add3A_68, %mul3A_76 : vector<64x1024xf32>
    %slice3A_78 = vector.extract_strided_slice %div3A_6 {offsets = [8, 0], sizes = [1, 1024], strides = [1, 1]} : vector<26x1024xf32> to vector<1x1024xf32>
    %get3A_79 = arith.constant 8 : index
    %get3A_80 = arith.constant 0 : index
    %get3A_81 = arith.constant 0 : index
    %get3A_82 = vector.load %arg2[%get3A_79, %get3A_80, %get3A_81] : memref<26x64x1024xf32, #tpu.memory_space<vmem>>, vector<1x64x1024xf32>
    %get3A_83 = vector.shape_cast %get3A_82 : vector<1x64x1024xf32> to vector<64x1024xf32>
    %mul3A_84 = vector.broadcast %slice3A_78 : vector<1x1024xf32> to vector<64x1024xf32>
    %mul3A_85 = arith.mulf %mul3A_84, %get3A_83 : vector<64x1024xf32>
    %add3A_86 = arith.addf %add3A_77, %mul3A_85 : vector<64x1024xf32>
    %slice3A_87 = vector.extract_strided_slice %div3A_6 {offsets = [9, 0], sizes = [1, 1024], strides = [1, 1]} : vector<26x1024xf32> to vector<1x1024xf32>
    %get3A_88 = arith.constant 9 : index
    %get3A_89 = arith.constant 0 : index
    %get3A_90 = arith.constant 0 : index
    %get3A_91 = vector.load %arg2[%get3A_88, %get3A_89, %get3A_90] : memref<26x64x1024xf32, #tpu.memory_space<vmem>>, vector<1x64x1024xf32>
    %get3A_92 = vector.shape_cast %get3A_91 : vector<1x64x1024xf32> to vector<64x1024xf32>
    %mul3A_93 = vector.broadcast %slice3A_87 : vector<1x1024xf32> to vector<64x1024xf32>
    %mul3A_94 = arith.mulf %mul3A_93, %get3A_92 : vector<64x1024xf32>
    %add3A_95 = arith.addf %add3A_86, %mul3A_94 : vector<64x1024xf32>
    %slice3A_96 = vector.extract_strided_slice %div3A_6 {offsets = [10, 0], sizes = [1, 1024], strides = [1, 1]} : vector<26x1024xf32> to vector<1x1024xf32>
    %get3A_97 = arith.constant 10 : index
    %get3A_98 = arith.constant 0 : index
    %get3A_99 = arith.constant 0 : index
    %get3A_100 = vector.load %arg2[%get3A_97, %get3A_98, %get3A_99] : memref<26x64x1024xf32, #tpu.memory_space<vmem>>, vector<1x64x1024xf32>
    %get3A_101 = vector.shape_cast %get3A_100 : vector<1x64x1024xf32> to vector<64x1024xf32>
    %mul3A_102 = vector.broadcast %slice3A_96 : vector<1x1024xf32> to vector<64x1024xf32>
    %mul3A_103 = arith.mulf %mul3A_102, %get3A_101 : vector<64x1024xf32>
    %add3A_104 = arith.addf %add3A_95, %mul3A_103 : vector<64x1024xf32>
    %slice3A_105 = vector.extract_strided_slice %div3A_6 {offsets = [11, 0], sizes = [1, 1024], strides = [1, 1]} : vector<26x1024xf32> to vector<1x1024xf32>
    %get3A_106 = arith.constant 11 : index
    %get3A_107 = arith.constant 0 : index
    %get3A_108 = arith.constant 0 : index
    %get3A_109 = vector.load %arg2[%get3A_106, %get3A_107, %get3A_108] : memref<26x64x1024xf32, #tpu.memory_space<vmem>>, vector<1x64x1024xf32>
    %get3A_110 = vector.shape_cast %get3A_109 : vector<1x64x1024xf32> to vector<64x1024xf32>
    %mul3A_111 = vector.broadcast %slice3A_105 : vector<1x1024xf32> to vector<64x1024xf32>
    %mul3A_112 = arith.mulf %mul3A_111, %get3A_110 : vector<64x1024xf32>
    %add3A_113 = arith.addf %add3A_104, %mul3A_112 : vector<64x1024xf32>
    %slice3A_114 = vector.extract_strided_slice %div3A_6 {offsets = [12, 0], sizes = [1, 1024], strides = [1, 1]} : vector<26x1024xf32> to vector<1x1024xf32>
    %get3A_115 = arith.constant 12 : index
    %get3A_116 = arith.constant 0 : index
    %get3A_117 = arith.constant 0 : index
    %get3A_118 = vector.load %arg2[%get3A_115, %get3A_116, %get3A_117] : memref<26x64x1024xf32, #tpu.memory_space<vmem>>, vector<1x64x1024xf32>
    %get3A_119 = vector.shape_cast %get3A_118 : vector<1x64x1024xf32> to vector<64x1024xf32>
    %mul3A_120 = vector.broadcast %slice3A_114 : vector<1x1024xf32> to vector<64x1024xf32>
    %mul3A_121 = arith.mulf %mul3A_120, %get3A_119 : vector<64x1024xf32>
    %add3A_122 = arith.addf %add3A_113, %mul3A_121 : vector<64x1024xf32>
    %slice3A_123 = vector.extract_strided_slice %div3A_6 {offsets = [13, 0], sizes = [1, 1024], strides = [1, 1]} : vector<26x1024xf32> to vector<1x1024xf32>
    %get3A_124 = arith.constant 13 : index
    %get3A_125 = arith.constant 0 : index
    %get3A_126 = arith.constant 0 : index
    %get3A_127 = vector.load %arg2[%get3A_124, %get3A_125, %get3A_126] : memref<26x64x1024xf32, #tpu.memory_space<vmem>>, vector<1x64x1024xf32>
    %get3A_128 = vector.shape_cast %get3A_127 : vector<1x64x1024xf32> to vector<64x1024xf32>
    %mul3A_129 = vector.broadcast %slice3A_123 : vector<1x1024xf32> to vector<64x1024xf32>
    %mul3A_130 = arith.mulf %mul3A_129, %get3A_128 : vector<64x1024xf32>
    %add3A_131 = arith.addf %add3A_122, %mul3A_130 : vector<64x1024xf32>
    %slice3A_132 = vector.extract_strided_slice %div3A_6 {offsets = [14, 0], sizes = [1, 1024], strides = [1, 1]} : vector<26x1024xf32> to vector<1x1024xf32>
    %get3A_133 = arith.constant 14 : index
    %get3A_134 = arith.constant 0 : index
    %get3A_135 = arith.constant 0 : index
    %get3A_136 = vector.load %arg2[%get3A_133, %get3A_134, %get3A_135] : memref<26x64x1024xf32, #tpu.memory_space<vmem>>, vector<1x64x1024xf32>
    %get3A_137 = vector.shape_cast %get3A_136 : vector<1x64x1024xf32> to vector<64x1024xf32>
    %mul3A_138 = vector.broadcast %slice3A_132 : vector<1x1024xf32> to vector<64x1024xf32>
    %mul3A_139 = arith.mulf %mul3A_138, %get3A_137 : vector<64x1024xf32>
    %add3A_140 = arith.addf %add3A_131, %mul3A_139 : vector<64x1024xf32>
    %slice3A_141 = vector.extract_strided_slice %div3A_6 {offsets = [15, 0], sizes = [1, 1024], strides = [1, 1]} : vector<26x1024xf32> to vector<1x1024xf32>
    %get3A_142 = arith.constant 15 : index
    %get3A_143 = arith.constant 0 : index
    %get3A_144 = arith.constant 0 : index
    %get3A_145 = vector.load %arg2[%get3A_142, %get3A_143, %get3A_144] : memref<26x64x1024xf32, #tpu.memory_space<vmem>>, vector<1x64x1024xf32>
    %get3A_146 = vector.shape_cast %get3A_145 : vector<1x64x1024xf32> to vector<64x1024xf32>
    %mul3A_147 = vector.broadcast %slice3A_141 : vector<1x1024xf32> to vector<64x1024xf32>
    %mul3A_148 = arith.mulf %mul3A_147, %get3A_146 : vector<64x1024xf32>
    %add3A_149 = arith.addf %add3A_140, %mul3A_148 : vector<64x1024xf32>
    %slice3A_150 = vector.extract_strided_slice %div3A_6 {offsets = [16, 0], sizes = [1, 1024], strides = [1, 1]} : vector<26x1024xf32> to vector<1x1024xf32>
    %get3A_151 = arith.constant 16 : index
    %get3A_152 = arith.constant 0 : index
    %get3A_153 = arith.constant 0 : index
    %get3A_154 = vector.load %arg2[%get3A_151, %get3A_152, %get3A_153] : memref<26x64x1024xf32, #tpu.memory_space<vmem>>, vector<1x64x1024xf32>
    %get3A_155 = vector.shape_cast %get3A_154 : vector<1x64x1024xf32> to vector<64x1024xf32>
    %mul3A_156 = vector.broadcast %slice3A_150 : vector<1x1024xf32> to vector<64x1024xf32>
    %mul3A_157 = arith.mulf %mul3A_156, %get3A_155 : vector<64x1024xf32>
    %add3A_158 = arith.addf %add3A_149, %mul3A_157 : vector<64x1024xf32>
    %slice3A_159 = vector.extract_strided_slice %div3A_6 {offsets = [17, 0], sizes = [1, 1024], strides = [1, 1]} : vector<26x1024xf32> to vector<1x1024xf32>
    %get3A_160 = arith.constant 17 : index
    %get3A_161 = arith.constant 0 : index
    %get3A_162 = arith.constant 0 : index
    %get3A_163 = vector.load %arg2[%get3A_160, %get3A_161, %get3A_162] : memref<26x64x1024xf32, #tpu.memory_space<vmem>>, vector<1x64x1024xf32>
    %get3A_164 = vector.shape_cast %get3A_163 : vector<1x64x1024xf32> to vector<64x1024xf32>
    %mul3A_165 = vector.broadcast %slice3A_159 : vector<1x1024xf32> to vector<64x1024xf32>
    %mul3A_166 = arith.mulf %mul3A_165, %get3A_164 : vector<64x1024xf32>
    %add3A_167 = arith.addf %add3A_158, %mul3A_166 : vector<64x1024xf32>
    %slice3A_168 = vector.extract_strided_slice %div3A_6 {offsets = [18, 0], sizes = [1, 1024], strides = [1, 1]} : vector<26x1024xf32> to vector<1x1024xf32>
    %get3A_169 = arith.constant 18 : index
    %get3A_170 = arith.constant 0 : index
    %get3A_171 = arith.constant 0 : index
    %get3A_172 = vector.load %arg2[%get3A_169, %get3A_170, %get3A_171] : memref<26x64x1024xf32, #tpu.memory_space<vmem>>, vector<1x64x1024xf32>
    %get3A_173 = vector.shape_cast %get3A_172 : vector<1x64x1024xf32> to vector<64x1024xf32>
    %mul3A_174 = vector.broadcast %slice3A_168 : vector<1x1024xf32> to vector<64x1024xf32>
    %mul3A_175 = arith.mulf %mul3A_174, %get3A_173 : vector<64x1024xf32>
    %add3A_176 = arith.addf %add3A_167, %mul3A_175 : vector<64x1024xf32>
    %slice3A_177 = vector.extract_strided_slice %div3A_6 {offsets = [19, 0], sizes = [1, 1024], strides = [1, 1]} : vector<26x1024xf32> to vector<1x1024xf32>
    %get3A_178 = arith.constant 19 : index
    %get3A_179 = arith.constant 0 : index
    %get3A_180 = arith.constant 0 : index
    %get3A_181 = vector.load %arg2[%get3A_178, %get3A_179, %get3A_180] : memref<26x64x1024xf32, #tpu.memory_space<vmem>>, vector<1x64x1024xf32>
    %get3A_182 = vector.shape_cast %get3A_181 : vector<1x64x1024xf32> to vector<64x1024xf32>
    %mul3A_183 = vector.broadcast %slice3A_177 : vector<1x1024xf32> to vector<64x1024xf32>
    %mul3A_184 = arith.mulf %mul3A_183, %get3A_182 : vector<64x1024xf32>
    %add3A_185 = arith.addf %add3A_176, %mul3A_184 : vector<64x1024xf32>
    %slice3A_186 = vector.extract_strided_slice %div3A_6 {offsets = [20, 0], sizes = [1, 1024], strides = [1, 1]} : vector<26x1024xf32> to vector<1x1024xf32>
    %get3A_187 = arith.constant 20 : index
    %get3A_188 = arith.constant 0 : index
    %get3A_189 = arith.constant 0 : index
    %get3A_190 = vector.load %arg2[%get3A_187, %get3A_188, %get3A_189] : memref<26x64x1024xf32, #tpu.memory_space<vmem>>, vector<1x64x1024xf32>
    %get3A_191 = vector.shape_cast %get3A_190 : vector<1x64x1024xf32> to vector<64x1024xf32>
    %mul3A_192 = vector.broadcast %slice3A_186 : vector<1x1024xf32> to vector<64x1024xf32>
    %mul3A_193 = arith.mulf %mul3A_192, %get3A_191 : vector<64x1024xf32>
    %add3A_194 = arith.addf %add3A_185, %mul3A_193 : vector<64x1024xf32>
    %slice3A_195 = vector.extract_strided_slice %div3A_6 {offsets = [21, 0], sizes = [1, 1024], strides = [1, 1]} : vector<26x1024xf32> to vector<1x1024xf32>
    %get3A_196 = arith.constant 21 : index
    %get3A_197 = arith.constant 0 : index
    %get3A_198 = arith.constant 0 : index
    %get3A_199 = vector.load %arg2[%get3A_196, %get3A_197, %get3A_198] : memref<26x64x1024xf32, #tpu.memory_space<vmem>>, vector<1x64x1024xf32>
    %get3A_200 = vector.shape_cast %get3A_199 : vector<1x64x1024xf32> to vector<64x1024xf32>
    %mul3A_201 = vector.broadcast %slice3A_195 : vector<1x1024xf32> to vector<64x1024xf32>
    %mul3A_202 = arith.mulf %mul3A_201, %get3A_200 : vector<64x1024xf32>
    %add3A_203 = arith.addf %add3A_194, %mul3A_202 : vector<64x1024xf32>
    %slice3A_204 = vector.extract_strided_slice %div3A_6 {offsets = [22, 0], sizes = [1, 1024], strides = [1, 1]} : vector<26x1024xf32> to vector<1x1024xf32>
    %get3A_205 = arith.constant 22 : index
    %get3A_206 = arith.constant 0 : index
    %get3A_207 = arith.constant 0 : index
    %get3A_208 = vector.load %arg2[%get3A_205, %get3A_206, %get3A_207] : memref<26x64x1024xf32, #tpu.memory_space<vmem>>, vector<1x64x1024xf32>
    %get3A_209 = vector.shape_cast %get3A_208 : vector<1x64x1024xf32> to vector<64x1024xf32>
    %mul3A_210 = vector.broadcast %slice3A_204 : vector<1x1024xf32> to vector<64x1024xf32>
    %mul3A_211 = arith.mulf %mul3A_210, %get3A_209 : vector<64x1024xf32>
    %add3A_212 = arith.addf %add3A_203, %mul3A_211 : vector<64x1024xf32>
    %slice3A_213 = vector.extract_strided_slice %div3A_6 {offsets = [23, 0], sizes = [1, 1024], strides = [1, 1]} : vector<26x1024xf32> to vector<1x1024xf32>
    %get3A_214 = arith.constant 23 : index
    %get3A_215 = arith.constant 0 : index
    %get3A_216 = arith.constant 0 : index
    %get3A_217 = vector.load %arg2[%get3A_214, %get3A_215, %get3A_216] : memref<26x64x1024xf32, #tpu.memory_space<vmem>>, vector<1x64x1024xf32>
    %get3A_218 = vector.shape_cast %get3A_217 : vector<1x64x1024xf32> to vector<64x1024xf32>
    %mul3A_219 = vector.broadcast %slice3A_213 : vector<1x1024xf32> to vector<64x1024xf32>
    %mul3A_220 = arith.mulf %mul3A_219, %get3A_218 : vector<64x1024xf32>
    %add3A_221 = arith.addf %add3A_212, %mul3A_220 : vector<64x1024xf32>
    %slice3A_222 = vector.extract_strided_slice %div3A_6 {offsets = [24, 0], sizes = [1, 1024], strides = [1, 1]} : vector<26x1024xf32> to vector<1x1024xf32>
    %get3A_223 = arith.constant 24 : index
    %get3A_224 = arith.constant 0 : index
    %get3A_225 = arith.constant 0 : index
    %get3A_226 = vector.load %arg2[%get3A_223, %get3A_224, %get3A_225] : memref<26x64x1024xf32, #tpu.memory_space<vmem>>, vector<1x64x1024xf32>
    %get3A_227 = vector.shape_cast %get3A_226 : vector<1x64x1024xf32> to vector<64x1024xf32>
    %mul3A_228 = vector.broadcast %slice3A_222 : vector<1x1024xf32> to vector<64x1024xf32>
    %mul3A_229 = arith.mulf %mul3A_228, %get3A_227 : vector<64x1024xf32>
    %add3A_230 = arith.addf %add3A_221, %mul3A_229 : vector<64x1024xf32>
    %slice3A_231 = vector.extract_strided_slice %div3A_6 {offsets = [25, 0], sizes = [1, 1024], strides = [1, 1]} : vector<26x1024xf32> to vector<1x1024xf32>
    %get3A_232 = arith.constant 25 : index
    %get3A_233 = arith.constant 0 : index
    %get3A_234 = arith.constant 0 : index
    %get3A_235 = vector.load %arg2[%get3A_232, %get3A_233, %get3A_234] : memref<26x64x1024xf32, #tpu.memory_space<vmem>>, vector<1x64x1024xf32>
    %get3A_236 = vector.shape_cast %get3A_235 : vector<1x64x1024xf32> to vector<64x1024xf32>
    %mul3A_237 = vector.broadcast %slice3A_231 : vector<1x1024xf32> to vector<64x1024xf32>
    %mul3A_238 = arith.mulf %mul3A_237, %get3A_236 : vector<64x1024xf32>
    %add3A_239 = arith.addf %add3A_230, %mul3A_238 : vector<64x1024xf32>
    %swap3A = arith.constant 0 : index
    %swap3A_240 = arith.constant 0 : index
    %swap3A_241 = vector.load %arg3[%swap3A, %swap3A_240] : memref<64x1024xf32, #tpu.memory_space<vmem>>, vector<64x1024xf32>
    tpu.vector_store %arg3[%swap3A, %swap3A_240], %add3A_239 {strides = array<i32>} : memref<64x1024xf32, #tpu.memory_space<vmem>>, vector<64x1024xf32>,
    return
  }
  func.func @transform_0(%arg0: i32) -> (i32, i32) {
    %c0_i32 = arith.constant 0 : i32
    %c0_i32_0 = arith.constant 0 : i32
    return %c0_i32, %arg0 : i32, i32
  }
  func.func @transform_1(%arg0: i32) -> (i32, i32, i32) {
    %c0_i32 = arith.constant 0 : i32
    %c0_i32_0 = arith.constant 0 : i32
    %c0_i32_1 = arith.constant 0 : i32
    return %c0_i32, %c0_i32_0, %arg0 : i32, i32, i32
  }
  func.func @transform_2(%arg0: i32) -> (i32, i32) {
    %c0_i32 = arith.constant 0 : i32
    %c0_i32_0 = arith.constant 0 : i32
    return %c0_i32, %arg0 : i32, i32
  }
}

</mosaic_0001>

<sc_bundles>
// kernel: kernel.4.cloned.1.call-start
scs
__scs_entry_jumppad:
0x0: {  	(pc) =	sbr.rel $0x88, $3  }
0x1: {  	(tag) =	ssettag $0x0;
	lr =	simm.s32 $0x1  }
0x2: {  	[smem:$0x3F9E] =	sst lr;
	_ =	strace $0xD0000000  }
0x3: {  	_ = 	snop  }
0x4: {  	_ = 	snop  }
0x5: {  	_ = 	snop  }
0x6: {  	_ = 	snop  }
0x7: {  	_ = 	snop  }
__scs_overlays_trampoline_lowered:
0x8: {  	[smem:$0x3FAD] =	sst s0  }
0x9: {  	[smem:$0x3FAE] =	sst s1  }
0xa: {  	[smem:$0x3FAF] =	sst s2  }
0xb: {  	[smem:$0x3FB0] =	sst s3  }
0xc: {  	[smem:$0x3FB1] =	sst s4  }
0xd: {  	[smem:$0x3FB2] =	sst s5  }
0xe: {  	[smem:$0x3FB3] =	sst s6  }
0xf: {  	[smem:$0x3FB4] =	sst s7  }
0x10: {  	[smem:$0x3FB5] =	sst s8  }
0x11: {  	[smem:$0x3FB6] =	sst s9;
	s0 =	simm.s32 @!p0 $0x0  }
0x12: {  	s1 =	sld [smem:$0x3F9C];
	s0 =	simm.s32 @p0 $0x1  }
0x13: {  	[smem:$0x3FB7] =	sst s0;
	s0 =	simm.s32 @!p1 $0x0  }
0x14: {  	s2 =	sld [smem:$0x3F9B];
	s0 =	simm.s32 @p1 $0x1  }
0x15: {  	[smem:$0x3FB8] =	sst s0;
	s0 =	simm.s32 @!p2 $0x0  }
0x16: {  	s3 =	sld [smem:$0x3FDB];
	s0 =	simm.s32 @p2 $0x1  }
0x17: {  	s4 =	simm.s32 $0x1BF5;
	[smem:$0x3FBA] =	sst s0  }
0x18: {  	s0 =	sld [smem:$0x3F9D];
	_ =	swait.ge [sflag:s4], $0x0  }
0x19: {  	s7 =	sld [smem:$0x3F9E]  }
0x1a: {  	s8 =	sadd.s32 $0xFFFFE003, lr  }
0x1b: {  	s9 =	sadd.s32 $0xFFFFFEF7, lr;
	s5 =	simm.s32 $0xFFFFFFFF;
	p2 =	slt.u32 s8, $0xFFFFF086  }
0x1c: {  	p1 =	slt.u32 s9, $0xF7A;
	s5 =	simm.s32 @!p2 $0x0  }
0x1d: {  	s5 =	simm.s32 @p1 $0x1;
	p0 =	seq.s32 s7, s2  }
0x1e: {  	s7 =	smul.u32 @!p0 $0xF7A, s2;
	p2 =	seq.s32 @!p0 s5, $0x0  }
0x1f: {  	s9 =	smul.u32 $0xF7A, s1;
	s8 =	simm.s32 @!p0 $0x1BF5;
	p2 =	por !p2, p0  }
0x20: {  	[sflag:s8] =	ssyncset.s32 @!p0 $0xFFFFF086;
	s6 =	sadd.s32 @!p0 s3, s7;
	s7 =	simm.s32 @!p0 $0x108  }
0x21: {  	s3 =	sadd.s32 s3, s9;
	s6 =	sadd.s32 @!p0 $0x88, s6;
	s7 =	simm.s32 @p2 $0x1082  }
0x22: {  	[simem:s7], [sflag:s8] =	dma.local @!p0 [hbm:s6], $0xF7A  }
0x23: {  	s9 =	sor.u32 $0xD0000000, s2;
	s6 =	simm.s32 $0x108;
	_ =	swait.ge @!p0 [sflag:s8], $0x0  }
0x24: {  	s3 =	sadd.s32 $0x88, s3;
	s6 =	simm.s32 @!p1 $0x1082;
	[sflag:s4] =	ssyncset.s32 $0xFFFFF086  }
0x25: {  	[simem:s6], [sflag:s4] =	dma.local [hbm:s3], $0xF7A  }
0x26: {  	[smem:$0x3F9E] =	sst s1;
	(tag) =	ssettag s2;
	_ =	strace s9  }
0x27: {  	s1 =	sld [smem:$0x3FAE]  }
0x28: {  	s2 =	sld [smem:$0x3FAF]  }
0x29: {  	s4 =	sld [smem:$0x3FB1]  }
0x2a: {  	p0 =	seq.s32 s5, $0x0;
	s5 =	sld [smem:$0x3FB2]  }
0x2b: {  	s6 =	sld [smem:$0x3FB3]  }
0x2c: {  	s7 =	sld [smem:$0x3FB4]  }
0x2d: {  	s3 =	simm.s32 $0x108;
	s8 =	sld [smem:$0x3FB5]  }
0x2e: {  	s3 =	simm.s32 @!p0 $0x1082;
	s9 =	sld [smem:$0x3FB6]  }
0x2f: {  	lr =	sadd.s32 s0, s3;
	s0 =	sld [smem:$0x3FAD]  }
0x30: {  	s3 =	sld [smem:$0x3FB0]  }
0x31: {  	[smem:$0x3FB9] =	sst s10  }
0x32: {  	s10 =	sld [smem:$0x3FB7];
	_ =	sdelay $0x3  }
0x33: {  	p0 =	seq.s32 s10, $0x1;
	s10 =	sld [smem:$0x3FB9];
	_ =	sdelay $0x3  }
0x34: {  	[smem:$0x3FB9] =	sst s10  }
0x35: {  	s10 =	sld [smem:$0x3FB8];
	_ =	sdelay $0x3  }
0x36: {  	p1 =	seq.s32 s10, $0x1;
	s10 =	sld [smem:$0x3FB9];
	_ =	sdelay $0x3  }
0x37: {  	[smem:$0x3FB9] =	sst s10  }
0x38: {  	s10 =	sld [smem:$0x3FBA]  }
0x39: {  	_ = 	snop;
	(pc) =	sbr.ind lr, $3  }
0x3a: {  	_ = 	snop  }
0x3b: {  	_ = 	snop  }
0x3c: {  	p2 =	seq.s32 s10, $0x1;
	s10 =	sld [smem:$0x3FB9]  }
0x3d: {  	_ =	shalt  }
0x3e: {  	_ =	shalt  }
0x3f: {  	_ =	shalt  }
0x40: {  	_ =	shalt  }
0x41: {  	_ =	shalt  }
0x42: {  	_ =	shalt  }
0x43: {  	_ =	shalt  }
0x44: {  	_ =	shalt  }
0x45: {  	_ =	shalt  }
0x46: {  	_ =	shalt  }
0x47: {  	_ =	shalt  }
0x48: {  	_ =	shalt  }
0x49: {  	_ =	shalt  }
0x4a: {  	_ =	shalt  }
0x4b: {  	_ =	shalt  }
0x4c: {  	_ =	shalt  }
0x4d: {  	_ =	shalt  }
0x4e: {  	_ =	shalt  }
0x4f: {  	_ =	shalt  }
0x50: {  	_ =	shalt  }
0x51: {  	_ =	shalt  }
0x52: {  	_ =	shalt  }
0x53: {  	_ =	shalt  }
0x54: {  	_ =	shalt  }
0x55: {  	_ =	shalt  }
0x56: {  	_ =	shalt  }
0x57: {  	_ =	shalt  }
0x58: {  	_ =	shalt  }
0x59: {  	_ =	shalt  }
0x5a: {  	_ =	shalt  }
0x5b: {  	_ =	shalt  }
0x5c: {  	_ =	shalt  }
0x5d: {  	_ =	shalt  }
0x5e: {  	_ =	shalt  }
0x5f: {  	_ =	shalt  }
0x60: {  	_ =	shalt  }
0x61: {  	_ =	shalt  }
0x62: {  	_ =	shalt  }
0x63: {  	_ =	shalt  }
0x64: {  	_ =	shalt  }
0x65: {  	_ =	shalt  }
0x66: {  	_ =	shalt  }
0x67: {  	_ =	shalt  }
0x68: {  	_ =	shalt  }
0x69: {  	_ =	shalt  }
0x6a: {  	_ =	shalt  }
0x6b: {  	_ =	shalt  }
0x6c: {  	_ =	shalt  }
0x6d: {  	_ =	shalt  }
0x6e: {  	_ =	shalt  }
0x6f: {  	_ =	shalt  }
0x70: {  	_ =	shalt  }
0x71: {  	_ =	shalt  }
0x72: {  	_ =	shalt  }
0x73: {  	_ =	shalt  }
0x74: {  	_ =	shalt  }
0x75: {  	_ =	shalt  }
0x76: {  	_ =	shalt  }
0x77: {  	_ =	shalt  }
0x78: {  	_ =	shalt  }
0x79: {  	_ =	shalt  }
0x7a: {  	_ =	shalt  }
0x7b: {  	_ =	shalt  }
0x7c: {  	_ =	shalt  }
0x7d: {  	_ =	shalt  }
0x7e: {  	_ =	shalt  }
0x7f: {  	_ =	shalt  }
0x80: {  	_ =	shalt  }
0x81: {  	_ =	shalt  }
0x82: {  	_ =	shalt  }
0x83: {  	_ =	shalt  }
0x84: {  	_ =	shalt  }
0x85: {  	_ =	shalt  }
0x86: {  	_ =	shalt  }
0x87: {  	_ =	shalt  }
.Lfunc_end0:
.L_simem_size_0:
called_computation_lowered:
.L_overlay_start_0:
0x88: {  	s2 =	sld [smem:$0x3FD9]  }
0x89: {  	s3 =	sld [smem:$0x3FFE];
	_ =	sdelay $0x1  }
0x8a: {  	s1 =	srdreg.scid  }
0x8b: {  	s0 =	sand.u32 $0x1, s1  }
0x8c: {  	s18 =	sshll.u32 s0, $0xA;
	s2 =	sadd.s32 s3, s2  }
0x8d: {  	s2 =	sadd.s32 s2, s18  }
0x8e: {  	[smem:$0x3FC5] =	sst s2  }
0x8f: {  	_ = 	snop  }
0x90: {  	s2 =	sld [smem:$0x3FC8]  }
0x91: {  	s19 =	sld [smem:$0x3FC7]  }
0x92: {  	s4 =	sld [smem:$0x3FD0];
	(tm) =	ssettm $0x1  }
0x93: {  	s5 =	sld [smem:$0x3FFB];
	_ =	sdelay $0x3  }
0x94: {  	_ =	strace s5  }
0x95: {  	s5 =	sld [smem:$0x3FFC];
	_ =	sdelay $0x3  }
0x96: {  	_ =	strace s5  }
0x97: {  	s5 =	sld [smem:$0x3FFD];
	_ =	sdelay $0x3  }
0x98: {  	_ =	strace s5  }
0x99: {  	_ =	strace $0x8FFFFFFF  }
0x9a: {  	s20 =	sld [smem:$0x3FDB];
	_ =	sdelay $0x1  }
0x9b: {  	s6 =	simm.s32 $_scs_section_size  }
0x9c: {  	s7 =	simm.s32 $_size__tile_overlayer_lowered;
	s8 =	simm.s32 $_tile_overlayer_lowered  }
0x9d: {  	s23 =	simm.s32 $0x1BFF;
	s22 =	sshll.u32 s8, $0x1;
	s5 =	sadd.s32 s6, s20  }
0x9e: {  	s9 =	simm.s32 $0x0;
	s21 =	sshll.u32 s7, $0x1;
	s7 =	sadd.s32 s22, s5  }
0x9f: {  	[timem:s9], [sflag:s23] =	dma.local [hbm:s7], s21  }
0xa0: {  	_ =	swait.ge [sflag:s23], s21  }
0xa1: {  	s6 =	ssub.s32 $0x0, s21;
	[sflag:s23] =	ssyncset.done $0x0  }
0xa2: {  	[sflag:s23] =	ssyncadd.s32 s6;
	_ =	sdelay $0x1  }
0xa3: {  	s24 =	simm.s32 $0x1B8B  }
0xa4: {  	_ =	swait.ge [sflag:s24], $0x1  }
0xa5: {  	[sflag:s24] =	ssyncset.done $0x0  }
0xa6: {  	s25 =	simm.s32 $0x1B8E;
	[sflag:s24] =	ssyncadd.s32 $0xFFFFFFFF  }
0xa7: {  	s26 =	simm.s32 $execute0_lowered;
	[smem:$0x3FD2] =	sst s25  }
0xa8: {  	s6 =	sshll.u32 s26, $0x1;
	_ =	strace $0x80000046;
	[dreg:$0x1] =	wrdreg $0xFFFFFFFF  }
0xa9: {  	s28 =	simm.s32 $_size_execute0_lowered;
	s5 =	sadd.s32 s5, s6;
	[dreg:$0x0] =	wrdreg $0x0  }
0xaa: {  	s6 =	sshll.u32 s28, $0x1;
	[dreg:$0x2] =	wrdreg s5  }
0xab: {  	[dreg:$0x3] =	wrdreg s6  }
0xac: {  	[dreg:$0x4] =	wrdreg $0xC0  }
0xad: {  	_ =	task [dreg:s9], $0x5FFFF  }
0xae: {  	[dreg:$0x1] =	wrdreg $0xFFFFFFFF  }
0xaf: {  	[dreg:$0x0] =	wrdreg $0x60  }
0xb0: {  	[dreg:$0x2] =	wrdreg s2  }
0xb1: {  	[dreg:$0x3] =	wrdreg s19  }
0xb2: {  	[dreg:$0x4] =	wrdreg s4  }
0xb3: {  	[dreg:$0x5] =	wrdreg $0x9  }
0xb4: {  	_ =	task.clear_ibuf [dreg:s9], $0x6FFFF;
	_ =	strace $0x90000046  }
0xb5: {  	s29 =	simm.s32 $0x9;
	_ =	strace $0x80000048  }
0xb6: {  	_ =	swait.ge [sflag:s29], $0x1  }
0xb7: {  	[sflag:s29] =	ssyncadd.s32 $0xFFFFFFFF  }
0xb8: {  	_ =	strace $0x90000048  }
0xb9: {  	_ =	sfence  }
0xba: {  	s30 =	sld [smem:$0x0];
	_ =	sdelay $0x2  }
0xbb: {  	s31 =	sshll.u32 s1, $0xD;
	s1 =	sshrl.u32 s1, $0x2  }
0xbc: {  	s3 =	sand.u32 $0x4000, s31;
	s1 =	sadd.s32 s1, s30  }
0xbd: {  	s0 =	sor.u32 s3, s0;
	s1 =	sshll.u32 s1, $0x11  }
0xbe: {  	s0 =	sor.u32 s1, s0  }
0xbf: {  	s0 =	sadd.s32 $0x8F2B, s0  }
0xc0: {  	[sflag:s0] =	ssyncadd.remote.s32 $0x1  }
0xc1: {  	_ =	sfence.sel $0xFFFF  }
0xc2: {  	[dreg:$0x0] =	wrdreg $0xFFFFFFFF;
	(pc) =	sbr.abs _section_cstart, $3  }
0xc3: {  	[dreg:$0x1] =	wrdreg $0xFFFFFFFF  }
0xc4: {  	_ =	task.clear_ibuf [dreg:s9], $0x2FFFF;
	_ =	strace $0x9FFFFFFF  }
0xc5: {  	(tm) =	ssettm $0x7FFFFFFF  }
tec
execute0_lowered:
.L_overlay_start_1:
0x0: {  	(tag) =	ssettag $0x1  }
0x1: {  	s2 =	stileid.u32  }
0x2: {  	p0 =	sgt.u32 s2, $0xC  }
.Ltmp0:
0x3: {  	s1 =	rddreg [dreg:$0x0];
	(pc) =	sbr.rel @p0 .LBB2_5-.Ltmp0, $4  }
0x4: {  	s5 =	rddreg [dreg:$0x1]  }
0x5: {  	s4 =	rddreg [dreg:$0x2];
	s3 =	simm.s32 $0x0  }
0x6: {  	[smem:$0x7FF] =	sst s3  }
0x7: {  	s0 =	rddreg [dreg:$0x3];
	_ =	strace $0x80000047  }
0x8: {  	s6 =	srdreg.scid;
	s7 =	sshll.u32 s2, $0x8  }
0x9: {  	s8 =	sshrl.u32 s2, $0x2;
	s11 =	simm.s32 $0x1;
	s12 =	simm.s32 $0x19700  }
0xa: {  	s6 =	sand.u32 $0x1, s6;
	s7 =	sand.u32 $0x300, s7;
	s31 =	sshll.u32 s8, $0xF  }
0xb: {  	s8 =	smul.u32 $0xC3800, s8;
	s9 =	sshll.u32 s6, $0x7;
	s6 =	ssub.s32 $0x2, s6  }
0xc: {  	s13 =	simm.s32 $0x0;
	s7 =	sor.u32 s9, s7;
	s10 =	sshrl.u32 s6, $0x1  }
0xd: {  	s9 =	sor.u32 s31, s7;
	s7 =	sor.u32 s8, s7;
	s6 =	ssub.s32 s6, s10  }
0xe: {  	s8 =	simm.s32 $0x400;
	s10 =	simm.s32 $0x2;
	s9 =	sshrl.u32 s9, $0x3  }
0xf: {  	s7 =	sshrl.u32 s7, $0x3;
	s6 =	smax.u32 s6, $0x1;
	s4 =	sadd.s32 s4, s9  }
0x10: {  	s5 =	sadd.s32 s5, s7;
	s7 =	simm.s32 $0x80;
	s9 =	simm.s32 $0x18700  }
.LBB2_2:
0x11: {  	s14 =	simm.s32 $0x0  }
0x12: {  	[tilespmem:s14], [sflag:$0x1] =	stream.strided.gather [hbm4b:s5+s7], $0x18700, s8, s7, $0x38;
	[tilespmem:$0x1A700] =	vst v63  }
0x13: {  	_ = 	snop  }
0x14: {  	[tilespmem:s9], [sflag:$0x2] =	stream.linear.gather [hbm4b:s1+s14], $0x1000, $0x38;
	[tilespmem:$0x1A700] =	vst v63  }
0x15: {  	_ =	swait.ge [sflag:s10], $0x1000  }
0x16: {  	[sflag:s10] =	ssyncset.done $0x0  }
0x17: {  	[sflag:s10] =	ssyncadd.s32 $0xFFFFF000  }
0x18: {  	_ =	swait.ge [sflag:s11], $0x18700  }
0x19: {  	[sflag:s11] =	ssyncset.done $0x0  }
0x1a: {  	s14 =	simm.s32 $0x0;
	[sflag:s11] =	ssyncadd.s32 $0xFFFE7900  }
0x1b: {  	v0 =	vld [tilespmem:s14+$0x18700];
	_ =	sdelay $0x5  }
0x1c: {  	v1 =	vld [tilespmem:s14+$0x18710];
	_ =	sdelay $0x1  }
0x1d: {  	v0 =	vld.idx.msk [tilespmem:v0+s3+$0x0], $0xffff;
	_ =	sdelay $0x4  }
0x1e: {  	[tilespmem:s14+$0x19700] =	vst v0;
	v0 =	vld [tilespmem:s14+$0x18720]  }
0x1f: {  	v1 =	vld.idx.msk [tilespmem:v1+s3+$0x0], $0xffff;
	_ =	sdelay $0x4  }
0x20: {  	[tilespmem:s14+$0x19710] =	vst v1;
	v1 =	vld [tilespmem:s14+$0x18730];
	_ =	sdelay $0x1  }
0x21: {  	v0 =	vld.idx.msk [tilespmem:v0+s3+$0x0], $0xffff;
	_ =	sdelay $0x4  }
0x22: {  	[tilespmem:s14+$0x19720] =	vst v0;
	v0 =	vld [tilespmem:s14+$0x18740]  }
0x23: {  	v1 =	vld.idx.msk [tilespmem:v1+s3+$0x0], $0xffff;
	_ =	sdelay $0x4  }
0x24: {  	[tilespmem:s14+$0x19730] =	vst v1;
	v1 =	vld [tilespmem:s14+$0x18750];
	_ =	sdelay $0x1  }
0x25: {  	v0 =	vld.idx.msk [tilespmem:v0+s3+$0x0], $0xffff;
	_ =	sdelay $0x4  }
0x26: {  	v2 =	vld [tilespmem:s14+$0x18760];
	[tilespmem:s14+$0x19740] =	vst v0  }
0x27: {  	v0 =	vld.idx.msk [tilespmem:v1+s3+$0x0], $0xffff;
	_ =	sdelay $0x4  }
0x28: {  	[tilespmem:s14+$0x19750] =	vst v0;
	v0 =	vld [tilespmem:s14+$0x18770];
	_ =	sdelay $0x1  }
0x29: {  	v1 =	vld.idx.msk [tilespmem:v2+s3+$0x0], $0xffff;
	_ =	sdelay $0x3  }
0x2a: {  	s16 =	simm.s32 $0x80;
	s15 =	simm.s32 $0x400  }
.LBB2_3:
0x2b: {  	p0 =	sne.s32 s15, $0x3E00;
	v2 =	vld [tilespmem:s16+$0x18700];
	[tilespmem:s14+$0x19760] =	vst v1  }
0x2c: {  	v0 =	vld.idx.msk [tilespmem:v0+s3+$0x0], $0xffff;
	_ =	sdelay $0x5  }
0x2d: {  	v1 =	vld [tilespmem:s16+$0x18710];
	[tilespmem:s14+$0x19770] =	vst v0;
	s14 =	smov.u32 s16  }
0x2e: {  	v0 =	vld.idx.msk [tilespmem:v2+s3+$0x0], $0xffff;
	_ =	sdelay $0x5  }
0x2f: {  	[tilespmem:s14+$0x19700] =	vst v0;
	v0 =	vld [tilespmem:s14+$0x18720]  }
0x30: {  	v1 =	vld.idx.msk [tilespmem:v1+s3+$0x0], $0xffff;
	_ =	sdelay $0x5  }
0x31: {  	[tilespmem:s14+$0x19710] =	vst v1;
	v1 =	vld [tilespmem:s14+$0x18730]  }
0x32: {  	v0 =	vld.idx.msk [tilespmem:v0+s3+$0x0], $0xffff;
	_ =	sdelay $0x5  }
0x33: {  	[tilespmem:s14+$0x19720] =	vst v0;
	v0 =	vld [tilespmem:s14+$0x18740]  }
0x34: {  	v1 =	vld.idx.msk [tilespmem:v1+s3+$0x0], $0xffff;
	_ =	sdelay $0x5  }
0x35: {  	[tilespmem:s14+$0x19730] =	vst v1;
	v1 =	vld [tilespmem:s14+$0x18750]  }
0x36: {  	v0 =	vld.idx.msk [tilespmem:v0+s3+$0x0], $0xffff;
	_ =	sdelay $0x5  }
0x37: {  	[tilespmem:s14+$0x19740] =	vst v0;
	v2 =	vld [tilespmem:s14+$0x18760]  }
0x38: {  	v0 =	vld.idx.msk [tilespmem:v1+s3+$0x0], $0xffff;
	_ =	sdelay $0x5  }
0x39: {  	[tilespmem:s14+$0x19750] =	vst v0;
	v0 =	vld [tilespmem:s14+$0x18770]  }
0x3a: {  	v1 =	vld.idx.msk [tilespmem:v2+s3+$0x0], $0xffff  }
.Ltmp1:
0x3b: {  	(pc) =	sbr.rel @p0 .LBB2_3-.Ltmp1, $2  }
0x3c: {  	_ =	sdelay $0x2  }
0x3d: {  	s16 =	sshra.s32 s15, $0x2;
	s15 =	sadd.s32 $0x200, s15  }
0x3e: {  	_ =	sdelay $0x1  }
0x3f: {  	v2 =	vld [tilespmem:s16+$0x18700]  }
0x40: {  	[tilespmem:s14+$0x19760] =	vst v1  }
0x41: {  	v0 =	vld.idx.msk [tilespmem:v0+s3+$0x0], $0xffff;
	_ =	sdelay $0x3  }
0x42: {  	v1 =	vld [tilespmem:s16+$0x18710]  }
0x43: {  	[tilespmem:s14+$0x19770] =	vst v0  }
0x44: {  	v0 =	vld.idx.msk [tilespmem:v2+s3+$0x0], $0xffff;
	_ =	sdelay $0x3  }
0x45: {  	v58 =	vld [tilespmem:s16+$0x18720]  }
0x46: {  	[tilespmem:s16+$0x19700] =	vst v0  }
0x47: {  	v1 =	vld.idx.msk [tilespmem:v1+s3+$0x0], $0xffff;
	_ =	sdelay $0x3  }
0x48: {  	v59 =	vld [tilespmem:s16+$0x18730]  }
0x49: {  	[tilespmem:s16+$0x19710] =	vst v1  }
0x4a: {  	v0 =	vld.idx.msk [tilespmem:v58+s3+$0x0], $0xffff;
	_ =	sdelay $0x3  }
0x4b: {  	v60 =	vld [tilespmem:s16+$0x18740]  }
0x4c: {  	[tilespmem:s16+$0x19720] =	vst v0  }
0x4d: {  	v1 =	vld.idx.msk [tilespmem:v59+s3+$0x0], $0xffff;
	_ =	sdelay $0x3  }
0x4e: {  	v61 =	vld [tilespmem:s16+$0x18750]  }
0x4f: {  	[tilespmem:s16+$0x19730] =	vst v1  }
0x50: {  	v0 =	vld.idx.msk [tilespmem:v60+s3+$0x0], $0xffff;
	_ =	sdelay $0x3  }
0x51: {  	v62 =	vld [tilespmem:s16+$0x18760]  }
0x52: {  	[tilespmem:s16+$0x19740] =	vst v0  }
0x53: {  	v1 =	vld.idx.msk [tilespmem:v61+s3+$0x0], $0xffff;
	_ =	sdelay $0x3  }
0x54: {  	v63 =	vld [tilespmem:s16+$0x18770]  }
0x55: {  	[tilespmem:s16+$0x19750] =	vst v1  }
0x56: {  	v0 =	vld.idx.msk [tilespmem:v62+s3+$0x0], $0xffff;
	_ =	sdelay $0x4  }
0x57: {  	[tilespmem:s16+$0x19760] =	vst v0  }
0x58: {  	v0 =	vld.idx.msk [tilespmem:v63+s3+$0x0], $0xffff;
	_ =	sdelay $0x2  }
0x59: {  	s13 =	sadd.s32 $0x1, s13  }
0x5a: {  	p0 =	sne.s32 s13, s6  }
.Ltmp2:
0x5b: {  	[tilespmem:s16+$0x19770] =	vst v0;
	(pc) =	sbr.rel @p0 .LBB2_2-.Ltmp2, $4  }
0x5c: {  	[hbm4b:s4+s7] =	stream.strided.scatter [tilespmem:s12], [sflag:$0x2], $0x1000, s8, s7, $0x38;
	[tilespmem:$0x1A700] =	vst v63  }
0x5d: {  	_ =	swait.ge [sflag:s10], $0x1000  }
0x5e: {  	[sflag:s10] =	ssyncset.done $0x0  }
0x5f: {  	[sflag:s10] =	ssyncadd.s32 $0xFFFFF000  }
.LBB2_5:
0x60: {  	_ =	sfence.sel $0x180000  }
0x61: {  	[bflag:$0x0] =	sbarrier.arrive $0xFFFF  }
0x62: {  	p0 =	sne.s32 s2, $0x0;
	_ =	strace $0x90000047  }
0x63: {  	s0 =	sadd.s32 @!p0 $0x100000, s0;
	[bflag:$0x2] =	sbarrier.arrive $0xFFFF  }
0x64: {  	[sflag:s0] =	ssyncadd.tile.s32 @!p0 $0x1;
	_ =	shalt  }
.Lfunc_end2:
_tile_overlayer_lowered:
.L_overlay_start_2:
0x65: {  	(tag) =	ssettag $0x2  }
0x66: {  	s0 =	rddreg [dreg:$0x0];
	s2 =	stileid.u32  }
0x67: {  	s1 =	rddreg [dreg:$0x1];
	p0 =	sne.s32 s2, $0x0  }
0x68: {  	s3 =	rddreg [dreg:$0x2];
	[bflag:$0x3] =	sbarrier.arrive $0xFFFF;
	s2 =	simm.s32 @!p0 $0x1C02  }
0x69: {  	[timem:s3], [sflag:s2] =	dma.local @!p0 [hbm:s0], s1  }
0x6a: {  	s0 =	simm.s32 @!p0 $0x2  }
0x6b: {  	_ =	swait.ge @!p0 [sflag:s0], s1  }
0x6c: {  	s1 =	ssub.s32 @!p0 $0x0, s1;
	[sflag:s0] =	ssyncset.done @!p0 $0x0  }
0x6d: {  	[sflag:s0] =	ssyncadd.s32 @!p0 s1  }
0x6e: {  	[bflag:$0x3] =	sbarrier.arrive $0xFFFF  }
0x6f: {  	_ =	shalt  }

</sc_bundles>
